<compile_context>
chip_gen: v7x
topology: tpu7x:2x2x1
jax: 0.10.2.dev20260603
libtpu: 0.0.44.dev20260713+nightly
codegen_flags: <defaults>
</compile_context>

<pallas_src>
import jax
import jax.numpy as jnp
from jax import lax
from jax.experimental import pallas as pl
from jax.experimental.pallas import tpu as pltpu
from jax.experimental.pallas import tpu_sc as plsc

STYLE_N = 1000
FRAME_N = 200
DIM = 128
BATCH = 4096

NUM_CORES = 2
NUM_SUBCORES = 16
LANES = 16
NW = NUM_CORES * NUM_SUBCORES
B_PER_W = BATCH // NW


CHUNK = 64
NCHUNK = B_PER_W // CHUNK


def _gather_body(style_hbm, frame_hbm, table_hbm, out_hbm,
                 sidx_v, fidx_v, flat_v, rows_v, gsem, wsem):
    wid = lax.axis_index("s") * NUM_CORES + lax.axis_index("c")
    base = wid * B_PER_W

    c1 = pltpu.async_copy(style_hbm.at[pl.ds(base, B_PER_W)], sidx_v, wsem)
    c2 = pltpu.async_copy(frame_hbm.at[pl.ds(base, B_PER_W)], fidx_v, wsem)
    c1.wait()
    c2.wait()

    gathers = []
    for c in range(NCHUNK):
        for i in range(c * CHUNK // LANES, (c + 1) * CHUNK // LANES):
            s = sidx_v[pl.ds(i * LANES, LANES)]
            f = fidx_v[pl.ds(i * LANES, LANES)]
            flat_v[pl.ds(i * LANES, LANES)] = s * FRAME_N + f
        gathers.append(pltpu.async_copy(
            table_hbm.at[flat_v.at[pl.ds(c * CHUNK, CHUNK)]],
            rows_v.at[pl.ds(c * CHUNK, CHUNK)], gsem))
    writes = []
    for c in range(NCHUNK):
        gathers[c].wait()
        writes.append(pltpu.async_copy(
            rows_v.at[pl.ds(c * CHUNK, CHUNK)],
            out_hbm.at[pl.ds(base + c * CHUNK, CHUNK)], wsem))
    for w in writes:
        w.wait()


@jax.jit
def _sc_gather(style_ids, frame_ids, table):
    mesh = plsc.VectorSubcoreMesh(core_axis_name="c", subcore_axis_name="s")
    return pl.kernel(
        _gather_body,
        mesh=mesh,
        out_type=jax.ShapeDtypeStruct((BATCH, DIM), jnp.float32),
        scratch_types=[
            pltpu.VMEM((B_PER_W,), jnp.int32),
            pltpu.VMEM((B_PER_W,), jnp.int32),
            pltpu.VMEM((B_PER_W,), jnp.int32),
            pltpu.VMEM((B_PER_W, DIM), jnp.float32),
            pltpu.SemaphoreType.DMA,
            pltpu.SemaphoreType.DMA,
        ],
    )(style_ids, frame_ids, table)


def kernel(style_ids, frame_ids, latents, latents_mu):
    del latents_mu
    table = latents.reshape(STYLE_N * FRAME_N, DIM)
    return _sc_gather(style_ids.astype(jnp.int32), frame_ids.astype(jnp.int32),
                      table)

# --- scband reference (transcript-rebuilt; emitter-appended) ---
"""Pipeline reference for scband-learnable-latents-2027224564266 (READ-ONLY COPY).

The authoritative reference and input builder live on the scoring server;
editing this copy changes nothing except your own understanding.
"""

import jax, jax.numpy as jnp
import numpy as np

STYLE_NUM = 1000
FRAME_NUM = 200
LATENT_DIM = 128
BATCH = 4096
SIGMA_SCALE = 1.0


def setup_inputs(seed: int = 0) -> dict:
    key = jax.random.key(seed)
    k1, k2, k3, k4 = jax.random.split(key, 4)
    style_ids = jax.random.randint(k1, (BATCH,), 0, STYLE_NUM, dtype=jnp.int64 if jax.config.jax_enable_x64 else jnp.int32)
    frame_ids = jax.random.randint(k2, (BATCH,), 0, FRAME_NUM, dtype=jnp.int64 if jax.config.jax_enable_x64 else jnp.int32)
    latents = jax.random.normal(k3, (STYLE_NUM, FRAME_NUM, LATENT_DIM), dtype=jnp.float32)
    latents_mu = jax.random.normal(k4, (STYLE_NUM, LATENT_DIM), dtype=jnp.float32)
    return {"style_ids": style_ids, "frame_ids": frame_ids, "latents": latents, "latents_mu": latents_mu}


def reference(style_ids, frame_ids, latents, latents_mu):
    # flat_ids = style_ids * frame_num + frame_ids
    flat_ids = style_ids * FRAME_NUM + frame_ids
    # frame_latents = self.latents.reshape(-1, latent_dim)[flat_ids]
    flat_latents = latents.reshape(-1, LATENT_DIM)
    frame_latents = jnp.take(flat_latents, flat_ids, axis=0)
    # latents_mu = self.latents_mu[style_ids]
    mu = jnp.take(latents_mu, style_ids, axis=0)
    # (frame_latents - latents_mu) * sigma_scale + latents_mu
    return (frame_latents - mu) * SIGMA_SCALE + mu

if __name__ == "__main__":
    import jax
    _d = setup_inputs()
    print(jax.jit(kernel)(*tuple(_d.values())))

</pallas_src>

<mosaic_0001>
#map = affine_map<(d0, d1) -> (0)>
#map1 = affine_map<(d0, d1) -> (0, 0)>
module attributes {stable_mosaic.version = 14 : i64} {
  func.func @_gather_body(%arg0: i32, %arg1: i32, %arg2: memref<4096xi32, #tpu.memory_space<hbm>>, %arg3: memref<4096xi32, #tpu.memory_space<hbm>>, %arg4: memref<200000x128xf32, #tpu.memory_space<hbm>>, %arg5: memref<4096x128xf32, #tpu.memory_space<hbm>>, %arg6: memref<128xi32, #tpu.memory_space<vmem>>, %arg7: memref<128xi32, #tpu.memory_space<vmem>>, %arg8: memref<128xi32, #tpu.memory_space<vmem>>, %arg9: memref<128x128xf32, #tpu.memory_space<vmem>>, %arg10: memref<!tpu.dma_semaphore, #tpu.memory_space<semaphore_mem>>, %arg11: memref<!tpu.dma_semaphore, #tpu.memory_space<semaphore_mem>>) attributes {dimension_semantics = [#tpu.dimension_semantics<core_parallel>, #tpu.dimension_semantics<subcore_parallel>], iteration_bounds = array<i64: 2, 16>, scalar_prefetch = 0 : i64, scratch_operands = 6 : i64, tpu.core_type = #tpu.core_type<sc_vector_subcore>, window_params = [{transform_indices = #map}, {transform_indices = #map}, {transform_indices = #map1}, {transform_indices = #map1}]} {
    %mul3A = arith.constant 2 : i32
    %mul3A_0 = arith.muli %arg1, %mul3A : i32
    %add3A = arith.addi %mul3A_0, %arg0 : i32
    %mul3A_1 = arith.constant 128 : i32
    %mul3A_2 = arith.muli %add3A, %mul3A_1 : i32
    %dma_start3A = tpu.memref_slice %arg2[%mul3A_2] : memref<4096xi32, #tpu.memory_space<hbm>> -> memref<128xi32, #tpu.memory_space<hbm>>
    %dma_start3A_3 = tpu.memref_slice %arg2[%mul3A_2] : memref<4096xi32, #tpu.memory_space<hbm>> -> memref<128xi32, #tpu.memory_space<hbm>>
    tpu.enqueue_dma source(%dma_start3A_3 : memref<128xi32, #tpu.memory_space<hbm>>) target(%arg6 : memref<128xi32, #tpu.memory_space<vmem>>) target_semaphore(%arg11 : memref<!tpu.dma_semaphore, #tpu.memory_space<semaphore_mem>>)
    %dma_start3A_4 = tpu.memref_slice %arg3[%mul3A_2] : memref<4096xi32, #tpu.memory_space<hbm>> -> memref<128xi32, #tpu.memory_space<hbm>>
    %dma_start3A_5 = tpu.memref_slice %arg3[%mul3A_2] : memref<4096xi32, #tpu.memory_space<hbm>> -> memref<128xi32, #tpu.memory_space<hbm>>
    tpu.enqueue_dma source(%dma_start3A_5 : memref<128xi32, #tpu.memory_space<hbm>>) target(%arg7 : memref<128xi32, #tpu.memory_space<vmem>>) target_semaphore(%arg11 : memref<!tpu.dma_semaphore, #tpu.memory_space<semaphore_mem>>)
    %dma_wait3A = tpu.memref_slice %arg2[%mul3A_2] : memref<4096xi32, #tpu.memory_space<hbm>> -> memref<128xi32, #tpu.memory_space<hbm>>
    %dma_wait3A_6 = tpu.memref_slice %arg2[%mul3A_2] : memref<4096xi32, #tpu.memory_space<hbm>> -> memref<128xi32, #tpu.memory_space<hbm>>
    tpu.wait_dma2 semaphore(%arg11 : memref<!tpu.dma_semaphore, #tpu.memory_space<semaphore_mem>>) src(%dma_wait3A_6 : memref<128xi32, #tpu.memory_space<hbm>>) dst(%arg6 : memref<128xi32, #tpu.memory_space<vmem>>)
    %dma_wait3A_7 = tpu.memref_slice %arg3[%mul3A_2] : memref<4096xi32, #tpu.memory_space<hbm>> -> memref<128xi32, #tpu.memory_space<hbm>>
    %dma_wait3A_8 = tpu.memref_slice %arg3[%mul3A_2] : memref<4096xi32, #tpu.memory_space<hbm>> -> memref<128xi32, #tpu.memory_space<hbm>>
    tpu.wait_dma2 semaphore(%arg11 : memref<!tpu.dma_semaphore, #tpu.memory_space<semaphore_mem>>) src(%dma_wait3A_8 : memref<128xi32, #tpu.memory_space<hbm>>) dst(%arg7 : memref<128xi32, #tpu.memory_space<vmem>>)
    %get3A = arith.constant 0 : index
    %get3A_9 = tpu.vector_load %arg6[%get3A] {strides = array<i32>} : memref<128xi32, #tpu.memory_space<vmem>>, vector<16xi32>,
    %get3A_10 = vector.shape_cast %get3A_9 : vector<16xi32> to vector<16xi32>
    %get3A_11 = arith.constant 0 : index
    %get3A_12 = tpu.vector_load %arg7[%get3A_11] {strides = array<i32>} : memref<128xi32, #tpu.memory_space<vmem>>, vector<16xi32>,
    %get3A_13 = vector.shape_cast %get3A_12 : vector<16xi32> to vector<16xi32>
    %mul3A_14 = arith.constant 200 : i32
    %mul3A_15 = vector.broadcast %mul3A_14 : i32 to vector<16xi32>
    %mul3A_16 = arith.muli %get3A_10, %mul3A_15 : vector<16xi32>
    %add3A_17 = arith.addi %mul3A_16, %get3A_13 : vector<16xi32>
    %swap3A = arith.constant 0 : index
    %swap3A_18 = tpu.vector_load %arg8[%swap3A] {strides = array<i32>} : memref<128xi32, #tpu.memory_space<vmem>>, vector<16xi32>,
    %swap3A_19 = vector.shape_cast %swap3A_18 : vector<16xi32> to vector<16xi32>
    %swap3A_20 = vector.shape_cast %add3A_17 : vector<16xi32> to vector<16xi32>
    tpu.vector_store %arg8[%swap3A], %swap3A_20 {strides = array<i32>} : memref<128xi32, #tpu.memory_space<vmem>>, vector<16xi32>,
    %get3A_21 = arith.constant 16 : index
    %get3A_22 = tpu.vector_load %arg6[%get3A_21] {strides = array<i32>} : memref<128xi32, #tpu.memory_space<vmem>>, vector<16xi32>,
    %get3A_23 = vector.shape_cast %get3A_22 : vector<16xi32> to vector<16xi32>
    %get3A_24 = arith.constant 16 : index
    %get3A_25 = tpu.vector_load %arg7[%get3A_24] {strides = array<i32>} : memref<128xi32, #tpu.memory_space<vmem>>, vector<16xi32>,
    %get3A_26 = vector.shape_cast %get3A_25 : vector<16xi32> to vector<16xi32>
    %mul3A_27 = arith.constant 200 : i32
    %mul3A_28 = vector.broadcast %mul3A_27 : i32 to vector<16xi32>
    %mul3A_29 = arith.muli %get3A_23, %mul3A_28 : vector<16xi32>
    %add3A_30 = arith.addi %mul3A_29, %get3A_26 : vector<16xi32>
    %swap3A_31 = arith.constant 16 : index
    %swap3A_32 = tpu.vector_load %arg8[%swap3A_31] {strides = array<i32>} : memref<128xi32, #tpu.memory_space<vmem>>, vector<16xi32>,
    %swap3A_33 = vector.shape_cast %swap3A_32 : vector<16xi32> to vector<16xi32>
    %swap3A_34 = vector.shape_cast %add3A_30 : vector<16xi32> to vector<16xi32>
    tpu.vector_store %arg8[%swap3A_31], %swap3A_34 {strides = array<i32>} : memref<128xi32, #tpu.memory_space<vmem>>, vector<16xi32>,
    %get3A_35 = arith.constant 32 : index
    %get3A_36 = tpu.vector_load %arg6[%get3A_35] {strides = array<i32>} : memref<128xi32, #tpu.memory_space<vmem>>, vector<16xi32>,
    %get3A_37 = vector.shape_cast %get3A_36 : vector<16xi32> to vector<16xi32>
    %get3A_38 = arith.constant 32 : index
    %get3A_39 = tpu.vector_load %arg7[%get3A_38] {strides = array<i32>} : memref<128xi32, #tpu.memory_space<vmem>>, vector<16xi32>,
    %get3A_40 = vector.shape_cast %get3A_39 : vector<16xi32> to vector<16xi32>
    %mul3A_41 = arith.constant 200 : i32
    %mul3A_42 = vector.broadcast %mul3A_41 : i32 to vector<16xi32>
    %mul3A_43 = arith.muli %get3A_37, %mul3A_42 : vector<16xi32>
    %add3A_44 = arith.addi %mul3A_43, %get3A_40 : vector<16xi32>
    %swap3A_45 = arith.constant 32 : index
    %swap3A_46 = tpu.vector_load %arg8[%swap3A_45] {strides = array<i32>} : memref<128xi32, #tpu.memory_space<vmem>>, vector<16xi32>,
    %swap3A_47 = vector.shape_cast %swap3A_46 : vector<16xi32> to vector<16xi32>
    %swap3A_48 = vector.shape_cast %add3A_44 : vector<16xi32> to vector<16xi32>
    tpu.vector_store %arg8[%swap3A_45], %swap3A_48 {strides = array<i32>} : memref<128xi32, #tpu.memory_space<vmem>>, vector<16xi32>,
    %get3A_49 = arith.constant 48 : index
    %get3A_50 = tpu.vector_load %arg6[%get3A_49] {strides = array<i32>} : memref<128xi32, #tpu.memory_space<vmem>>, vector<16xi32>,
    %get3A_51 = vector.shape_cast %get3A_50 : vector<16xi32> to vector<16xi32>
    %get3A_52 = arith.constant 48 : index
    %get3A_53 = tpu.vector_load %arg7[%get3A_52] {strides = array<i32>} : memref<128xi32, #tpu.memory_space<vmem>>, vector<16xi32>,
    %get3A_54 = vector.shape_cast %get3A_53 : vector<16xi32> to vector<16xi32>
    %mul3A_55 = arith.constant 200 : i32
    %mul3A_56 = vector.broadcast %mul3A_55 : i32 to vector<16xi32>
    %mul3A_57 = arith.muli %get3A_51, %mul3A_56 : vector<16xi32>
    %add3A_58 = arith.addi %mul3A_57, %get3A_54 : vector<16xi32>
    %swap3A_59 = arith.constant 48 : index
    %swap3A_60 = tpu.vector_load %arg8[%swap3A_59] {strides = array<i32>} : memref<128xi32, #tpu.memory_space<vmem>>, vector<16xi32>,
    %swap3A_61 = vector.shape_cast %swap3A_60 : vector<16xi32> to vector<16xi32>
    %swap3A_62 = vector.shape_cast %add3A_58 : vector<16xi32> to vector<16xi32>
    tpu.vector_store %arg8[%swap3A_59], %swap3A_62 {strides = array<i32>} : memref<128xi32, #tpu.memory_space<vmem>>, vector<16xi32>,
    %dma_start3A_63 = arith.constant 0 : i32
    %dma_start3A_64 = arith.constant 0 : i32
    %dma_start3A_65 = tpu.memref_slice %arg9[%dma_start3A_63, %dma_start3A_64] : memref<128x128xf32, #tpu.memory_space<vmem>> -> memref<64x128xf32, #tpu.memory_space<vmem>>
    %dma_start3A_66 = arith.constant 0 : i32
    %dma_start3A_67 = tpu.memref_slice %arg8[%dma_start3A_66] : memref<128xi32, #tpu.memory_space<vmem>> -> memref<64xi32, #tpu.memory_space<vmem>>
    %dma_start3A_68 = arith.constant 0 : i32
    %dma_start3A_69 = arith.constant 0 : i32
    %dma_start3A_70 = tpu.memref_slice %arg4[%dma_start3A_68, %dma_start3A_69] : memref<200000x128xf32, #tpu.memory_space<hbm>> -> memref<200000x128xf32, #tpu.memory_space<hbm>>
    tpu.enqueue_indirect_dma source(%dma_start3A_70 : memref<200000x128xf32, #tpu.memory_space<hbm>>) target(%dma_start3A_65 : memref<64x128xf32, #tpu.memory_space<vmem>>) offsets(%dma_start3A_67 : memref<64xi32, #tpu.memory_space<vmem>>) semaphore(%arg10 : memref<!tpu.dma_semaphore, #tpu.memory_space<semaphore_mem>>)
    %get3A_71 = arith.constant 64 : index
    %get3A_72 = tpu.vector_load %arg6[%get3A_71] {strides = array<i32>} : memref<128xi32, #tpu.memory_space<vmem>>, vector<16xi32>,
    %get3A_73 = vector.shape_cast %get3A_72 : vector<16xi32> to vector<16xi32>
    %get3A_74 = arith.constant 64 : index
    %get3A_75 = tpu.vector_load %arg7[%get3A_74] {strides = array<i32>} : memref<128xi32, #tpu.memory_space<vmem>>, vector<16xi32>,
    %get3A_76 = vector.shape_cast %get3A_75 : vector<16xi32> to vector<16xi32>
    %mul3A_77 = arith.constant 200 : i32
    %mul3A_78 = vector.broadcast %mul3A_77 : i32 to vector<16xi32>
    %mul3A_79 = arith.muli %get3A_73, %mul3A_78 : vector<16xi32>
    %add3A_80 = arith.addi %mul3A_79, %get3A_76 : vector<16xi32>
    %swap3A_81 = arith.constant 64 : index
    %swap3A_82 = tpu.vector_load %arg8[%swap3A_81] {strides = array<i32>} : memref<128xi32, #tpu.memory_space<vmem>>, vector<16xi32>,
    %swap3A_83 = vector.shape_cast %swap3A_82 : vector<16xi32> to vector<16xi32>
    %swap3A_84 = vector.shape_cast %add3A_80 : vector<16xi32> to vector<16xi32>
    tpu.vector_store %arg8[%swap3A_81], %swap3A_84 {strides = array<i32>} : memref<128xi32, #tpu.memory_space<vmem>>, vector<16xi32>,
    %get3A_85 = arith.constant 80 : index
    %get3A_86 = tpu.vector_load %arg6[%get3A_85] {strides = array<i32>} : memref<128xi32, #tpu.memory_space<vmem>>, vector<16xi32>,
    %get3A_87 = vector.shape_cast %get3A_86 : vector<16xi32> to vector<16xi32>
    %get3A_88 = arith.constant 80 : index
    %get3A_89 = tpu.vector_load %arg7[%get3A_88] {strides = array<i32>} : memref<128xi32, #tpu.memory_space<vmem>>, vector<16xi32>,
    %get3A_90 = vector.shape_cast %get3A_89 : vector<16xi32> to vector<16xi32>
    %mul3A_91 = arith.constant 200 : i32
    %mul3A_92 = vector.broadcast %mul3A_91 : i32 to vector<16xi32>
    %mul3A_93 = arith.muli %get3A_87, %mul3A_92 : vector<16xi32>
    %add3A_94 = arith.addi %mul3A_93, %get3A_90 : vector<16xi32>
    %swap3A_95 = arith.constant 80 : index
    %swap3A_96 = tpu.vector_load %arg8[%swap3A_95] {strides = array<i32>} : memref<128xi32, #tpu.memory_space<vmem>>, vector<16xi32>,
    %swap3A_97 = vector.shape_cast %swap3A_96 : vector<16xi32> to vector<16xi32>
    %swap3A_98 = vector.shape_cast %add3A_94 : vector<16xi32> to vector<16xi32>
    tpu.vector_store %arg8[%swap3A_95], %swap3A_98 {strides = array<i32>} : memref<128xi32, #tpu.memory_space<vmem>>, vector<16xi32>,
    %get3A_99 = arith.constant 96 : index
    %get3A_100 = tpu.vector_load %arg6[%get3A_99] {strides = array<i32>} : memref<128xi32, #tpu.memory_space<vmem>>, vector<16xi32>,
    %get3A_101 = vector.shape_cast %get3A_100 : vector<16xi32> to vector<16xi32>
    %get3A_102 = arith.constant 96 : index
    %get3A_103 = tpu.vector_load %arg7[%get3A_102] {strides = array<i32>} : memref<128xi32, #tpu.memory_space<vmem>>, vector<16xi32>,
    %get3A_104 = vector.shape_cast %get3A_103 : vector<16xi32> to vector<16xi32>
    %mul3A_105 = arith.constant 200 : i32
    %mul3A_106 = vector.broadcast %mul3A_105 : i32 to vector<16xi32>
    %mul3A_107 = arith.muli %get3A_101, %mul3A_106 : vector<16xi32>
    %add3A_108 = arith.addi %mul3A_107, %get3A_104 : vector<16xi32>
    %swap3A_109 = arith.constant 96 : index
    %swap3A_110 = tpu.vector_load %arg8[%swap3A_109] {strides = array<i32>} : memref<128xi32, #tpu.memory_space<vmem>>, vector<16xi32>,
    %swap3A_111 = vector.shape_cast %swap3A_110 : vector<16xi32> to vector<16xi32>
    %swap3A_112 = vector.shape_cast %add3A_108 : vector<16xi32> to vector<16xi32>
    tpu.vector_store %arg8[%swap3A_109], %swap3A_112 {strides = array<i32>} : memref<128xi32, #tpu.memory_space<vmem>>, vector<16xi32>,
    %get3A_113 = arith.constant 112 : index
    %get3A_114 = tpu.vector_load %arg6[%get3A_113] {strides = array<i32>} : memref<128xi32, #tpu.memory_space<vmem>>, vector<16xi32>,
    %get3A_115 = vector.shape_cast %get3A_114 : vector<16xi32> to vector<16xi32>
    %get3A_116 = arith.constant 112 : index
    %get3A_117 = tpu.vector_load %arg7[%get3A_116] {strides = array<i32>} : memref<128xi32, #tpu.memory_space<vmem>>, vector<16xi32>,
    %get3A_118 = vector.shape_cast %get3A_117 : vector<16xi32> to vector<16xi32>
    %mul3A_119 = arith.constant 200 : i32
    %mul3A_120 = vector.broadcast %mul3A_119 : i32 to vector<16xi32>
    %mul3A_121 = arith.muli %get3A_115, %mul3A_120 : vector<16xi32>
    %add3A_122 = arith.addi %mul3A_121, %get3A_118 : vector<16xi32>
    %swap3A_123 = arith.constant 112 : index
    %swap3A_124 = tpu.vector_load %arg8[%swap3A_123] {strides = array<i32>} : memref<128xi32, #tpu.memory_space<vmem>>, vector<16xi32>,
    %swap3A_125 = vector.shape_cast %swap3A_124 : vector<16xi32> to vector<16xi32>
    %swap3A_126 = vector.shape_cast %add3A_122 : vector<16xi32> to vector<16xi32>
    tpu.vector_store %arg8[%swap3A_123], %swap3A_126 {strides = array<i32>} : memref<128xi32, #tpu.memory_space<vmem>>, vector<16xi32>,
    %dma_start3A_127 = arith.constant 64 : i32
    %dma_start3A_128 = arith.constant 0 : i32
    %dma_start3A_129 = tpu.memref_slice %arg9[%dma_start3A_127, %dma_start3A_128] : memref<128x128xf32, #tpu.memory_space<vmem>> -> memref<64x128xf32, #tpu.memory_space<vmem>>
    %dma_start3A_130 = arith.constant 64 : i32
    %dma_start3A_131 = tpu.memref_slice %arg8[%dma_start3A_130] : memref<128xi32, #tpu.memory_space<vmem>> -> memref<64xi32, #tpu.memory_space<vmem>>
    %dma_start3A_132 = arith.constant 0 : i32
    %dma_start3A_133 = arith.constant 0 : i32
    %dma_start3A_134 = tpu.memref_slice %arg4[%dma_start3A_132, %dma_start3A_133] : memref<200000x128xf32, #tpu.memory_space<hbm>> -> memref<200000x128xf32, #tpu.memory_space<hbm>>
    tpu.enqueue_indirect_dma source(%dma_start3A_134 : memref<200000x128xf32, #tpu.memory_space<hbm>>) target(%dma_start3A_129 : memref<64x128xf32, #tpu.memory_space<vmem>>) offsets(%dma_start3A_131 : memref<64xi32, #tpu.memory_space<vmem>>) semaphore(%arg10 : memref<!tpu.dma_semaphore, #tpu.memory_space<semaphore_mem>>)
    %dma_wait3A_135 = arith.constant 0 : i32
    %dma_wait3A_136 = arith.constant 0 : i32
    %dma_wait3A_137 = tpu.memref_slice %arg9[%dma_wait3A_135, %dma_wait3A_136] : memref<128x128xf32, #tpu.memory_space<vmem>> -> memref<64x128xf32, #tpu.memory_space<vmem>>
    %dma_wait3A_138 = arith.constant 0 : i32
    %dma_wait3A_139 = tpu.memref_slice %arg8[%dma_wait3A_138] : memref<128xi32, #tpu.memory_space<vmem>> -> memref<64xi32, #tpu.memory_space<vmem>>
    %dma_wait3A_140 = arith.constant 0 : i32
    %dma_wait3A_141 = arith.constant 0 : i32
    %dma_wait3A_142 = tpu.memref_slice %arg4[%dma_wait3A_140, %dma_wait3A_141] : memref<200000x128xf32, #tpu.memory_space<hbm>> -> memref<200000x128xf32, #tpu.memory_space<hbm>>
    tpu.wait_indirect_dma semaphore(%arg10 : memref<!tpu.dma_semaphore, #tpu.memory_space<semaphore_mem>>) src(%dma_wait3A_142 : memref<200000x128xf32, #tpu.memory_space<hbm>>) dst(%dma_wait3A_137 : memref<64x128xf32, #tpu.memory_space<vmem>>)
    %add3A_143 = arith.constant 0 : i32
    %add3A_144 = arith.addi %mul3A_2, %add3A_143 : i32
    %dma_start3A_145 = arith.constant 0 : i32
    %dma_start3A_146 = arith.constant 0 : i32
    %dma_start3A_147 = tpu.memref_slice %arg9[%dma_start3A_145, %dma_start3A_146] : memref<128x128xf32, #tpu.memory_space<vmem>> -> memref<64x128xf32, #tpu.memory_space<vmem>>
    %dma_start3A_148 = arith.constant 0 : i32
    %dma_start3A_149 = tpu.memref_slice %arg5[%add3A_144, %dma_start3A_148] : memref<4096x128xf32, #tpu.memory_space<hbm>> -> memref<64x128xf32, #tpu.memory_space<hbm>>
    %dma_start3A_150 = arith.constant 0 : i32
    %dma_start3A_151 = tpu.memref_slice %arg5[%add3A_144, %dma_start3A_150] : memref<4096x128xf32, #tpu.memory_space<hbm>> -> memref<64x128xf32, #tpu.memory_space<hbm>>
    %dma_start3A_152 = arith.constant 0 : i32
    %dma_start3A_153 = arith.constant 0 : i32
    %dma_start3A_154 = tpu.memref_slice %arg9[%dma_start3A_152, %dma_start3A_153] : memref<128x128xf32, #tpu.memory_space<vmem>> -> memref<64x128xf32, #tpu.memory_space<vmem>>
    tpu.enqueue_dma source(%dma_start3A_154 : memref<64x128xf32, #tpu.memory_space<vmem>>) target(%dma_start3A_151 : memref<64x128xf32, #tpu.memory_space<hbm>>) target_semaphore(%arg11 : memref<!tpu.dma_semaphore, #tpu.memory_space<semaphore_mem>>)
    %dma_wait3A_155 = arith.constant 64 : i32
    %dma_wait3A_156 = arith.constant 0 : i32
    %dma_wait3A_157 = tpu.memref_slice %arg9[%dma_wait3A_155, %dma_wait3A_156] : memref<128x128xf32, #tpu.memory_space<vmem>> -> memref<64x128xf32, #tpu.memory_space<vmem>>
    %dma_wait3A_158 = arith.constant 64 : i32
    %dma_wait3A_159 = tpu.memref_slice %arg8[%dma_wait3A_158] : memref<128xi32, #tpu.memory_space<vmem>> -> memref<64xi32, #tpu.memory_space<vmem>>
    %dma_wait3A_160 = arith.constant 0 : i32
    %dma_wait3A_161 = arith.constant 0 : i32
    %dma_wait3A_162 = tpu.memref_slice %arg4[%dma_wait3A_160, %dma_wait3A_161] : memref<200000x128xf32, #tpu.memory_space<hbm>> -> memref<200000x128xf32, #tpu.memory_space<hbm>>
    tpu.wait_indirect_dma semaphore(%arg10 : memref<!tpu.dma_semaphore, #tpu.memory_space<semaphore_mem>>) src(%dma_wait3A_162 : memref<200000x128xf32, #tpu.memory_space<hbm>>) dst(%dma_wait3A_157 : memref<64x128xf32, #tpu.memory_space<vmem>>)
    %add3A_163 = arith.constant 64 : i32
    %add3A_164 = arith.addi %mul3A_2, %add3A_163 : i32
    %dma_start3A_165 = arith.constant 64 : i32
    %dma_start3A_166 = arith.constant 0 : i32
    %dma_start3A_167 = tpu.memref_slice %arg9[%dma_start3A_165, %dma_start3A_166] : memref<128x128xf32, #tpu.memory_space<vmem>> -> memref<64x128xf32, #tpu.memory_space<vmem>>
    %dma_start3A_168 = arith.constant 0 : i32
    %dma_start3A_169 = tpu.memref_slice %arg5[%add3A_164, %dma_start3A_168] : memref<4096x128xf32, #tpu.memory_space<hbm>> -> memref<64x128xf32, #tpu.memory_space<hbm>>
    %dma_start3A_170 = arith.constant 0 : i32
    %dma_start3A_171 = tpu.memref_slice %arg5[%add3A_164, %dma_start3A_170] : memref<4096x128xf32, #tpu.memory_space<hbm>> -> memref<64x128xf32, #tpu.memory_space<hbm>>
    %dma_start3A_172 = arith.constant 64 : i32
    %dma_start3A_173 = arith.constant 0 : i32
    %dma_start3A_174 = tpu.memref_slice %arg9[%dma_start3A_172, %dma_start3A_173] : memref<128x128xf32, #tpu.memory_space<vmem>> -> memref<64x128xf32, #tpu.memory_space<vmem>>
    tpu.enqueue_dma source(%dma_start3A_174 : memref<64x128xf32, #tpu.memory_space<vmem>>) target(%dma_start3A_171 : memref<64x128xf32, #tpu.memory_space<hbm>>) target_semaphore(%arg11 : memref<!tpu.dma_semaphore, #tpu.memory_space<semaphore_mem>>)
    %dma_wait3A_175 = arith.constant 0 : i32
    %dma_wait3A_176 = arith.constant 0 : i32
    %dma_wait3A_177 = tpu.memref_slice %arg9[%dma_wait3A_175, %dma_wait3A_176] : memref<128x128xf32, #tpu.memory_space<vmem>> -> memref<64x128xf32, #tpu.memory_space<vmem>>
    %dma_wait3A_178 = arith.constant 0 : i32
    %dma_wait3A_179 = tpu.memref_slice %arg5[%add3A_144, %dma_wait3A_178] : memref<4096x128xf32, #tpu.memory_space<hbm>> -> memref<64x128xf32, #tpu.memory_space<hbm>>
    %dma_wait3A_180 = arith.constant 0 : i32
    %dma_wait3A_181 = tpu.memref_slice %arg5[%add3A_144, %dma_wait3A_180] : memref<4096x128xf32, #tpu.memory_space<hbm>> -> memref<64x128xf32, #tpu.memory_space<hbm>>
    %dma_wait3A_182 = arith.constant 0 : i32
    %dma_wait3A_183 = arith.constant 0 : i32
    %dma_wait3A_184 = tpu.memref_slice %arg9[%dma_wait3A_182, %dma_wait3A_183] : memref<128x128xf32, #tpu.memory_space<vmem>> -> memref<64x128xf32, #tpu.memory_space<vmem>>
    tpu.wait_dma2 semaphore(%arg11 : memref<!tpu.dma_semaphore, #tpu.memory_space<semaphore_mem>>) src(%dma_wait3A_184 : memref<64x128xf32, #tpu.memory_space<vmem>>) dst(%dma_wait3A_181 : memref<64x128xf32, #tpu.memory_space<hbm>>)
    %dma_wait3A_185 = arith.constant 64 : i32
    %dma_wait3A_186 = arith.constant 0 : i32
    %dma_wait3A_187 = tpu.memref_slice %arg9[%dma_wait3A_185, %dma_wait3A_186] : memref<128x128xf32, #tpu.memory_space<vmem>> -> memref<64x128xf32, #tpu.memory_space<vmem>>
    %dma_wait3A_188 = arith.constant 0 : i32
    %dma_wait3A_189 = tpu.memref_slice %arg5[%add3A_164, %dma_wait3A_188] : memref<4096x128xf32, #tpu.memory_space<hbm>> -> memref<64x128xf32, #tpu.memory_space<hbm>>
    %dma_wait3A_190 = arith.constant 0 : i32
    %dma_wait3A_191 = tpu.memref_slice %arg5[%add3A_164, %dma_wait3A_190] : memref<4096x128xf32, #tpu.memory_space<hbm>> -> memref<64x128xf32, #tpu.memory_space<hbm>>
    %dma_wait3A_192 = arith.constant 64 : i32
    %dma_wait3A_193 = arith.constant 0 : i32
    %dma_wait3A_194 = tpu.memref_slice %arg9[%dma_wait3A_192, %dma_wait3A_193] : memref<128x128xf32, #tpu.memory_space<vmem>> -> memref<64x128xf32, #tpu.memory_space<vmem>>
    tpu.wait_dma2 semaphore(%arg11 : memref<!tpu.dma_semaphore, #tpu.memory_space<semaphore_mem>>) src(%dma_wait3A_194 : memref<64x128xf32, #tpu.memory_space<vmem>>) dst(%dma_wait3A_191 : memref<64x128xf32, #tpu.memory_space<hbm>>)
    return
  }
}

</mosaic_0001>

<sc_bundles>
// kernel: _sc_gather.3.cloned.1.call-start
scs
__scs_entry_jumppad:
0x0: {  	(pc) =	sbr.rel $0x88, $3  }
0x1: {  	(tag) =	ssettag $0x0;
	lr =	simm.s32 $0x1  }
0x2: {  	[smem:$0x3F9E] =	sst lr;
	_ =	strace $0xD0000000  }
0x3: {  	_ = 	snop  }
0x4: {  	_ = 	snop  }
0x5: {  	_ = 	snop  }
0x6: {  	_ = 	snop  }
0x7: {  	_ = 	snop  }
__scs_overlays_trampoline_lowered:
0x8: {  	[smem:$0x3FAD] =	sst s0  }
0x9: {  	[smem:$0x3FAE] =	sst s1  }
0xa: {  	[smem:$0x3FAF] =	sst s2  }
0xb: {  	[smem:$0x3FB0] =	sst s3  }
0xc: {  	[smem:$0x3FB1] =	sst s4  }
0xd: {  	[smem:$0x3FB2] =	sst s5  }
0xe: {  	[smem:$0x3FB3] =	sst s6  }
0xf: {  	[smem:$0x3FB4] =	sst s7  }
0x10: {  	[smem:$0x3FB5] =	sst s8  }
0x11: {  	[smem:$0x3FB6] =	sst s9;
	s0 =	simm.s32 @!p0 $0x0  }
0x12: {  	s1 =	sld [smem:$0x3F9C];
	s0 =	simm.s32 @p0 $0x1  }
0x13: {  	[smem:$0x3FB7] =	sst s0;
	s0 =	simm.s32 @!p1 $0x0  }
0x14: {  	s2 =	sld [smem:$0x3F9B];
	s0 =	simm.s32 @p1 $0x1  }
0x15: {  	[smem:$0x3FB8] =	sst s0;
	s0 =	simm.s32 @!p2 $0x0  }
0x16: {  	s3 =	sld [smem:$0x3FDB];
	s0 =	simm.s32 @p2 $0x1  }
0x17: {  	s4 =	simm.s32 $0x1BF5;
	[smem:$0x3FBA] =	sst s0  }
0x18: {  	s0 =	sld [smem:$0x3F9D];
	_ =	swait.ge [sflag:s4], $0x0  }
0x19: {  	s7 =	sld [smem:$0x3F9E]  }
0x1a: {  	s8 =	sadd.s32 $0xFFFFE003, lr  }
0x1b: {  	s9 =	sadd.s32 $0xFFFFFEF7, lr;
	s5 =	simm.s32 $0xFFFFFFFF;
	p2 =	slt.u32 s8, $0xFFFFF086  }
0x1c: {  	p1 =	slt.u32 s9, $0xF7A;
	s5 =	simm.s32 @!p2 $0x0  }
0x1d: {  	s5 =	simm.s32 @p1 $0x1;
	p0 =	seq.s32 s7, s2  }
0x1e: {  	s7 =	smul.u32 @!p0 $0xF7A, s2;
	p2 =	seq.s32 @!p0 s5, $0x0  }
0x1f: {  	s9 =	smul.u32 $0xF7A, s1;
	s8 =	simm.s32 @!p0 $0x1BF5;
	p2 =	por !p2, p0  }
0x20: {  	[sflag:s8] =	ssyncset.s32 @!p0 $0xFFFFF086;
	s6 =	sadd.s32 @!p0 s3, s7;
	s7 =	simm.s32 @!p0 $0x108  }
0x21: {  	s3 =	sadd.s32 s3, s9;
	s6 =	sadd.s32 @!p0 $0x88, s6;
	s7 =	simm.s32 @p2 $0x1082  }
0x22: {  	[simem:s7], [sflag:s8] =	dma.local @!p0 [hbm:s6], $0xF7A  }
0x23: {  	s9 =	sor.u32 $0xD0000000, s2;
	s6 =	simm.s32 $0x108;
	_ =	swait.ge @!p0 [sflag:s8], $0x0  }
0x24: {  	s3 =	sadd.s32 $0x88, s3;
	s6 =	simm.s32 @!p1 $0x1082;
	[sflag:s4] =	ssyncset.s32 $0xFFFFF086  }
0x25: {  	[simem:s6], [sflag:s4] =	dma.local [hbm:s3], $0xF7A  }
0x26: {  	[smem:$0x3F9E] =	sst s1;
	(tag) =	ssettag s2;
	_ =	strace s9  }
0x27: {  	s1 =	sld [smem:$0x3FAE]  }
0x28: {  	s2 =	sld [smem:$0x3FAF]  }
0x29: {  	s4 =	sld [smem:$0x3FB1]  }
0x2a: {  	p0 =	seq.s32 s5, $0x0;
	s5 =	sld [smem:$0x3FB2]  }
0x2b: {  	s6 =	sld [smem:$0x3FB3]  }
0x2c: {  	s7 =	sld [smem:$0x3FB4]  }
0x2d: {  	s3 =	simm.s32 $0x108;
	s8 =	sld [smem:$0x3FB5]  }
0x2e: {  	s3 =	simm.s32 @!p0 $0x1082;
	s9 =	sld [smem:$0x3FB6]  }
0x2f: {  	lr =	sadd.s32 s0, s3;
	s0 =	sld [smem:$0x3FAD]  }
0x30: {  	s3 =	sld [smem:$0x3FB0]  }
0x31: {  	[smem:$0x3FB9] =	sst s10  }
0x32: {  	s10 =	sld [smem:$0x3FB7];
	_ =	sdelay $0x3  }
0x33: {  	p0 =	seq.s32 s10, $0x1;
	s10 =	sld [smem:$0x3FB9];
	_ =	sdelay $0x3  }
0x34: {  	[smem:$0x3FB9] =	sst s10  }
0x35: {  	s10 =	sld [smem:$0x3FB8];
	_ =	sdelay $0x3  }
0x36: {  	p1 =	seq.s32 s10, $0x1;
	s10 =	sld [smem:$0x3FB9];
	_ =	sdelay $0x3  }
0x37: {  	[smem:$0x3FB9] =	sst s10  }
0x38: {  	s10 =	sld [smem:$0x3FBA]  }
0x39: {  	_ = 	snop;
	(pc) =	sbr.ind lr, $3  }
0x3a: {  	_ = 	snop  }
0x3b: {  	_ = 	snop  }
0x3c: {  	p2 =	seq.s32 s10, $0x1;
	s10 =	sld [smem:$0x3FB9]  }
0x3d: {  	_ =	shalt  }
0x3e: {  	_ =	shalt  }
0x3f: {  	_ =	shalt  }
0x40: {  	_ =	shalt  }
0x41: {  	_ =	shalt  }
0x42: {  	_ =	shalt  }
0x43: {  	_ =	shalt  }
0x44: {  	_ =	shalt  }
0x45: {  	_ =	shalt  }
0x46: {  	_ =	shalt  }
0x47: {  	_ =	shalt  }
0x48: {  	_ =	shalt  }
0x49: {  	_ =	shalt  }
0x4a: {  	_ =	shalt  }
0x4b: {  	_ =	shalt  }
0x4c: {  	_ =	shalt  }
0x4d: {  	_ =	shalt  }
0x4e: {  	_ =	shalt  }
0x4f: {  	_ =	shalt  }
0x50: {  	_ =	shalt  }
0x51: {  	_ =	shalt  }
0x52: {  	_ =	shalt  }
0x53: {  	_ =	shalt  }
0x54: {  	_ =	shalt  }
0x55: {  	_ =	shalt  }
0x56: {  	_ =	shalt  }
0x57: {  	_ =	shalt  }
0x58: {  	_ =	shalt  }
0x59: {  	_ =	shalt  }
0x5a: {  	_ =	shalt  }
0x5b: {  	_ =	shalt  }
0x5c: {  	_ =	shalt  }
0x5d: {  	_ =	shalt  }
0x5e: {  	_ =	shalt  }
0x5f: {  	_ =	shalt  }
0x60: {  	_ =	shalt  }
0x61: {  	_ =	shalt  }
0x62: {  	_ =	shalt  }
0x63: {  	_ =	shalt  }
0x64: {  	_ =	shalt  }
0x65: {  	_ =	shalt  }
0x66: {  	_ =	shalt  }
0x67: {  	_ =	shalt  }
0x68: {  	_ =	shalt  }
0x69: {  	_ =	shalt  }
0x6a: {  	_ =	shalt  }
0x6b: {  	_ =	shalt  }
0x6c: {  	_ =	shalt  }
0x6d: {  	_ =	shalt  }
0x6e: {  	_ =	shalt  }
0x6f: {  	_ =	shalt  }
0x70: {  	_ =	shalt  }
0x71: {  	_ =	shalt  }
0x72: {  	_ =	shalt  }
0x73: {  	_ =	shalt  }
0x74: {  	_ =	shalt  }
0x75: {  	_ =	shalt  }
0x76: {  	_ =	shalt  }
0x77: {  	_ =	shalt  }
0x78: {  	_ =	shalt  }
0x79: {  	_ =	shalt  }
0x7a: {  	_ =	shalt  }
0x7b: {  	_ =	shalt  }
0x7c: {  	_ =	shalt  }
0x7d: {  	_ =	shalt  }
0x7e: {  	_ =	shalt  }
0x7f: {  	_ =	shalt  }
0x80: {  	_ =	shalt  }
0x81: {  	_ =	shalt  }
0x82: {  	_ =	shalt  }
0x83: {  	_ =	shalt  }
0x84: {  	_ =	shalt  }
0x85: {  	_ =	shalt  }
0x86: {  	_ =	shalt  }
0x87: {  	_ =	shalt  }
.Lfunc_end0:
.L_simem_size_0:
called_computation_lowered:
.L_overlay_start_0:
0x88: {  	s2 =	sld [smem:$0x3FD9]  }
0x89: {  	s3 =	sld [smem:$0x3FFE];
	_ =	sdelay $0x1  }
0x8a: {  	s1 =	srdreg.scid  }
0x8b: {  	s0 =	sand.u32 $0x1, s1  }
0x8c: {  	s18 =	sshll.u32 s0, $0xA;
	s2 =	sadd.s32 s3, s2  }
0x8d: {  	s2 =	sadd.s32 s2, s18  }
0x8e: {  	[smem:$0x3FC5] =	sst s2  }
0x8f: {  	_ = 	snop  }
0x90: {  	s2 =	sld [smem:$0x3FC9]  }
0x91: {  	s19 =	sld [smem:$0x3FC8]  }
0x92: {  	s4 =	sld [smem:$0x3FC7]  }
0x93: {  	s5 =	sld [smem:$0x3FD0];
	(tm) =	ssettm $0x1  }
0x94: {  	s6 =	sld [smem:$0x3FFB];
	_ =	sdelay $0x3  }
0x95: {  	_ =	strace s6  }
0x96: {  	s6 =	sld [smem:$0x3FFC];
	_ =	sdelay $0x3  }
0x97: {  	_ =	strace s6  }
0x98: {  	s6 =	sld [smem:$0x3FFD];
	_ =	sdelay $0x3  }
0x99: {  	_ =	strace s6  }
0x9a: {  	_ =	strace $0x8FFFFFFF  }
0x9b: {  	s20 =	sld [smem:$0x3FDB];
	_ =	sdelay $0x1  }
0x9c: {  	s7 =	simm.s32 $_scs_section_size  }
0x9d: {  	s8 =	simm.s32 $_size__tile_overlayer_lowered;
	s9 =	simm.s32 $_tile_overlayer_lowered  }
0x9e: {  	s23 =	simm.s32 $0x1BFF;
	s22 =	sshll.u32 s9, $0x1;
	s6 =	sadd.s32 s7, s20  }
0x9f: {  	s10 =	simm.s32 $0x0;
	s21 =	sshll.u32 s8, $0x1;
	s8 =	sadd.s32 s22, s6  }
0xa0: {  	[timem:s10], [sflag:s23] =	dma.local [hbm:s8], s21  }
0xa1: {  	_ =	swait.ge [sflag:s23], s21  }
0xa2: {  	s7 =	ssub.s32 $0x0, s21;
	[sflag:s23] =	ssyncset.done $0x0  }
0xa3: {  	[sflag:s23] =	ssyncadd.s32 s7;
	_ =	sdelay $0x1  }
0xa4: {  	s24 =	simm.s32 $0x1B8B  }
0xa5: {  	_ =	swait.ge [sflag:s24], $0x1  }
0xa6: {  	[sflag:s24] =	ssyncset.done $0x0  }
0xa7: {  	s25 =	simm.s32 $0x1B8E;
	[sflag:s24] =	ssyncadd.s32 $0xFFFFFFFF  }
0xa8: {  	s26 =	simm.s32 $execute0_lowered;
	[smem:$0x3FD2] =	sst s25  }
0xa9: {  	s7 =	sshll.u32 s26, $0x1;
	_ =	strace $0x80000046;
	[dreg:$0x1] =	wrdreg $0xFFFFFFFF  }
0xaa: {  	s28 =	simm.s32 $_size_execute0_lowered;
	s6 =	sadd.s32 s6, s7;
	[dreg:$0x0] =	wrdreg $0x0  }
0xab: {  	s7 =	sshll.u32 s28, $0x1;
	[dreg:$0x2] =	wrdreg s6  }
0xac: {  	[dreg:$0x3] =	wrdreg s7  }
0xad: {  	[dreg:$0x4] =	wrdreg $0xC0  }
0xae: {  	_ =	task [dreg:s10], $0x5FFFF  }
0xaf: {  	[dreg:$0x1] =	wrdreg $0xFFFFFFFF  }
0xb0: {  	[dreg:$0x0] =	wrdreg $0x60  }
0xb1: {  	[dreg:$0x2] =	wrdreg s2  }
0xb2: {  	[dreg:$0x3] =	wrdreg s19  }
0xb3: {  	[dreg:$0x4] =	wrdreg s4  }
0xb4: {  	[dreg:$0x5] =	wrdreg s5  }
0xb5: {  	[dreg:$0x6] =	wrdreg $0x9  }
0xb6: {  	_ =	task.clear_ibuf [dreg:s10], $0x7FFFF;
	_ =	strace $0x90000046  }
0xb7: {  	s29 =	simm.s32 $0x9;
	_ =	strace $0x80000048  }
0xb8: {  	_ =	swait.ge [sflag:s29], $0x1  }
0xb9: {  	[sflag:s29] =	ssyncadd.s32 $0xFFFFFFFF  }
0xba: {  	_ =	strace $0x90000048  }
0xbb: {  	_ =	sfence  }
0xbc: {  	s30 =	sld [smem:$0x0];
	_ =	sdelay $0x2  }
0xbd: {  	s31 =	sshll.u32 s1, $0xD;
	s1 =	sshrl.u32 s1, $0x2  }
0xbe: {  	s3 =	sand.u32 $0x4000, s31;
	s1 =	sadd.s32 s1, s30  }
0xbf: {  	s0 =	sor.u32 s3, s0;
	s1 =	sshll.u32 s1, $0x11  }
0xc0: {  	s0 =	sor.u32 s1, s0  }
0xc1: {  	s0 =	sadd.s32 $0x8F2B, s0  }
0xc2: {  	[sflag:s0] =	ssyncadd.remote.s32 $0x1  }
0xc3: {  	_ =	sfence.sel $0xFFFF  }
0xc4: {  	[dreg:$0x0] =	wrdreg $0xFFFFFFFF;
	(pc) =	sbr.abs _section_cstart, $3  }
0xc5: {  	[dreg:$0x1] =	wrdreg $0xFFFFFFFF  }
0xc6: {  	_ =	task.clear_ibuf [dreg:s10], $0x2FFFF;
	_ =	strace $0x9FFFFFFF  }
0xc7: {  	(tm) =	ssettm $0x7FFFFFFF  }
tec
execute0_lowered:
.L_overlay_start_1:
0x0: {  	(tag) =	ssettag $0x1  }
0x1: {  	s4 =	rddreg [dreg:$0x0];
	s1 =	srdreg.scid  }
0x2: {  	s6 =	rddreg [dreg:$0x1];
	s0 =	stileid.u32;
	s11 =	sand.u32 $0x1, s1  }
0x3: {  	s2 =	rddreg [dreg:$0x2];
	s5 =	sshll.u32 s0, $0x8;
	s7 =	sshll.u32 s11, $0x7  }
0x4: {  	s14 =	rddreg [dreg:$0x3];
	s3 =	simm.s32 $0x0;
	s15 =	sor.u32 s7, s5  }
0x5: {  	[smem:$0x7FF] =	sst s3;
	s7 =	sshrl.u32 s15, $0x3  }
0x6: {  	s1 =	rddreg [dreg:$0x4];
	_ =	strace $0x80000047;
	s5 =	sadd.s32 s4, s7  }
0x7: {  	[tilespmem:s3], [sflag:$0x2] =	stream.linear.gather [hbm4b:s5+s3], $0x80, $0x38;
	[tilespmem:$0x4180] =	vst v63  }
0x8: {  	s6 =	sadd.s32 s6, s7;
	s7 =	simm.s32 $0x80;
	s4 =	simm.s32 $0x2  }
0x9: {  	[tilespmem:s7], [sflag:$0x2] =	stream.linear.gather [hbm4b:s6+s3], $0x80, $0x38;
	[tilespmem:$0x4180] =	vst v63  }
0xa: {  	_ =	swait.ge [sflag:s4], $0x80  }
0xb: {  	[sflag:s4] =	ssyncset.done $0x0  }
0xc: {  	[sflag:s4] =	ssyncadd.s32 $0xFFFFFF80  }
0xd: {  	_ =	swait.ge [sflag:s4], $0x80  }
0xe: {  	[sflag:s4] =	ssyncset.done $0x0  }
0xf: {  	[sflag:s4] =	ssyncadd.s32 $0xFFFFFF80  }
0x10: {  	v0 =	vld [tilespmem:$0xA0]  }
0x11: {  	v1 =	vld [tilespmem:$0xB0]  }
0x12: {  	v2 =	vld [tilespmem:$0x30]  }
0x13: {  	v3 =	vld [tilespmem:$0x20]  }
0x14: {  	v4 =	vld [tilespmem:$0x10]  }
0x15: {  	v5 =	vld [tilespmem:$0x0]  }
0x16: {  	v6 =	vld [tilespmem:$0x90]  }
0x17: {  	v7 =	vld [tilespmem:$0x80];
	v2 =	vmul.u32 $0xC8, v2  }
0x18: {  	v3 =	vmul.u32 $0xC8, v3  }
0x19: {  	v4 =	vmul.u32 $0xC8, v4;
	v1 =	vadd.s32 v1, v2  }
0x1a: {  	v49 =	vmul.u32 $0xC8, v5;
	v0 =	vadd.s32 v0, v3;
	[tilespmem:$0x130] =	vst v1  }
0x1b: {  	v50 =	vadd.s32 v6, v4;
	[tilespmem:$0x120] =	vst v0  }
0x1c: {  	v51 =	vadd.s32 v7, v49;
	[tilespmem:$0x110] =	vst v50  }
0x1d: {  	s8 =	simm.s32 $0x40;
	s10 =	simm.s32 $0x100;
	s9 =	simm.s32 $0x180;
	[tilespmem:$0x100] =	vst v51  }
0x1e: {  	[tilespmem:s9], [sflag:$0x1] =	stream.indirect.gather [hbm4b:s2+s8], $0x80, s10, s8, $0xb8;
	[tilespmem:$0x4180] =	vst v63  }
0x1f: {  	v52 =	vld [tilespmem:$0xF0]  }
0x20: {  	v53 =	vld [tilespmem:$0x40]  }
0x21: {  	v54 =	vld [tilespmem:$0x70]  }
0x22: {  	v55 =	vld [tilespmem:$0xC0]  }
0x23: {  	v56 =	vld [tilespmem:$0x50]  }
0x24: {  	v57 =	vld [tilespmem:$0x60]  }
0x25: {  	v58 =	vld [tilespmem:$0xD0]  }
0x26: {  	v59 =	vld [tilespmem:$0xE0];
	v1 =	vmul.u32 $0xC8, v53  }
0x27: {  	s11 =	ssub.s32 $0x2, s11;
	v2 =	vmul.u32 $0xC8, v54  }
0x28: {  	s12 =	sshrl.u32 s11, $0x1;
	v60 =	vmul.u32 $0xC8, v56;
	v1 =	vadd.s32 v55, v1  }
0x29: {  	s16 =	ssub.s32 s11, s12;
	v61 =	vmul.u32 $0xC8, v57;
	v0 =	vadd.s32 v52, v2;
	[tilespmem:$0x140] =	vst v1  }
0x2a: {  	s16 =	smax.u32 s16, $0x1;
	v62 =	vadd.s32 v58, v60;
	[tilespmem:$0x170] =	vst v0  }
0x2b: {  	s13 =	simm.s32 $0x140;
	p0 =	sne.s32 s16, $0x1;
	v63 =	vadd.s32 v59, v61;
	[tilespmem:$0x150] =	vst v62  }
.Ltmp0:
0x2c: {  	s11 =	simm.s32 $0x2180;
	s12 =	simm.s32 $0x1;
	[tilespmem:$0x160] =	vst v63;
	(pc) =	sbr.rel @!p0 .LBB2_2-.Ltmp0, $4  }
0x2d: {  	[tilespmem:s11], [sflag:$0x1] =	stream.indirect.gather [hbm4b:s2+s8], $0x80, s13, s8, $0xb8;
	[tilespmem:$0x4180] =	vst v63  }
0x2e: {  	s15 =	sshll.u32 s15, $0x4;
	_ =	swait.ge [sflag:s12], $0x2000  }
0x2f: {  	s15 =	sadd.s32 s14, s15;
	[sflag:s12] =	ssyncset.done $0x0  }
0x30: {  	s14 =	sadd.s32 $0x400, s15;
	s16 =	sadd.s32 $0xFFFFFFFF, s16;
	[sflag:s12] =	ssyncadd.s32 $0xFFFFE000  }
.LBB2_1:
0x31: {  	[hbm4b:s15+s3] =	stream.linear.scatter [tilespmem:s9], [sflag:$0x2], $0x2000, $0x38;
	[tilespmem:$0x4180] =	vst v63  }
0x32: {  	p0 =	sne.s32 s16, $0x1;
	s16 =	sadd.s32 $0xFFFFFFFF, s16;
	_ =	swait.ge [sflag:s12], $0x2000  }
0x33: {  	[sflag:s12] =	ssyncset.done $0x0  }
0x34: {  	[sflag:s12] =	ssyncadd.s32 $0xFFFFE000  }
0x35: {  	[hbm4b:s14+s3] =	stream.linear.scatter [tilespmem:s11], [sflag:$0x2], $0x2000, $0x38;
	[tilespmem:$0x4180] =	vst v63  }
0x36: {  	_ =	swait.ge [sflag:s4], $0x2000  }
0x37: {  	[sflag:s4] =	ssyncset.done $0x0  }
0x38: {  	[sflag:s4] =	ssyncadd.s32 $0xFFFFE000  }
0x39: {  	_ =	swait.ge [sflag:s4], $0x2000  }
0x3a: {  	[sflag:s4] =	ssyncset.done $0x0  }
0x3b: {  	[sflag:s4] =	ssyncadd.s32 $0xFFFFE000  }
0x3c: {  	[tilespmem:s3], [sflag:$0x2] =	stream.linear.gather [hbm4b:s5+s3], $0x80, $0x38;
	[tilespmem:$0x4180] =	vst v63  }
0x3d: {  	_ = 	snop  }
0x3e: {  	[tilespmem:s7], [sflag:$0x2] =	stream.linear.gather [hbm4b:s6+s3], $0x80, $0x38;
	[tilespmem:$0x4180] =	vst v63  }
0x3f: {  	_ =	swait.ge [sflag:s4], $0x80  }
0x40: {  	[sflag:s4] =	ssyncset.done $0x0  }
0x41: {  	[sflag:s4] =	ssyncadd.s32 $0xFFFFFF80  }
0x42: {  	_ =	swait.ge [sflag:s4], $0x80  }
0x43: {  	[sflag:s4] =	ssyncset.done $0x0  }
0x44: {  	[sflag:s4] =	ssyncadd.s32 $0xFFFFFF80  }
0x45: {  	v0 =	vld [tilespmem:$0xA0]  }
0x46: {  	v1 =	vld [tilespmem:$0xB0]  }
0x47: {  	v2 =	vld [tilespmem:$0x30]  }
0x48: {  	v3 =	vld [tilespmem:$0x20]  }
0x49: {  	v4 =	vld [tilespmem:$0x10]  }
0x4a: {  	v5 =	vld [tilespmem:$0x0]  }
0x4b: {  	v6 =	vld [tilespmem:$0x90]  }
0x4c: {  	v7 =	vld [tilespmem:$0x80];
	v2 =	vmul.u32 $0xC8, v2  }
0x4d: {  	v3 =	vmul.u32 $0xC8, v3  }
0x4e: {  	v4 =	vmul.u32 $0xC8, v4;
	v1 =	vadd.s32 v1, v2  }
0x4f: {  	v2 =	vmul.u32 $0xC8, v5;
	v0 =	vadd.s32 v0, v3;
	[tilespmem:$0x130] =	vst v1  }
0x50: {  	v1 =	vadd.s32 v6, v4;
	[tilespmem:$0x120] =	vst v0  }
0x51: {  	v0 =	vadd.s32 v7, v2;
	[tilespmem:$0x110] =	vst v1  }
0x52: {  	[tilespmem:$0x100] =	vst v0  }
0x53: {  	[tilespmem:s9], [sflag:$0x1] =	stream.indirect.gather [hbm4b:s2+s8], $0x80, s10, s8, $0xb8;
	[tilespmem:$0x4180] =	vst v63  }
0x54: {  	v0 =	vld [tilespmem:$0xF0]  }
0x55: {  	v1 =	vld [tilespmem:$0x40]  }
0x56: {  	v2 =	vld [tilespmem:$0x70]  }
0x57: {  	v3 =	vld [tilespmem:$0xC0]  }
0x58: {  	v4 =	vld [tilespmem:$0x50]  }
0x59: {  	v5 =	vld [tilespmem:$0x60]  }
0x5a: {  	v1 =	vmul.u32 $0xC8, v1;
	v6 =	vld [tilespmem:$0xD0]  }
0x5b: {  	v7 =	vld [tilespmem:$0xE0]  }
0x5c: {  	v2 =	vmul.u32 $0xC8, v2;
	v1 =	vadd.s32 v3, v1  }
0x5d: {  	[tilespmem:$0x140] =	vst v1;
	v1 =	vmul.u32 $0xC8, v4  }
0x5e: {  	v0 =	vadd.s32 v0, v2;
	v3 =	vmul.u32 $0xC8, v5  }
0x5f: {  	v1 =	vadd.s32 v6, v1;
	[tilespmem:$0x170] =	vst v0  }
0x60: {  	[tilespmem:$0x150] =	vst v1;
	v0 =	vadd.s32 v7, v3  }
.Ltmp1:
0x61: {  	[tilespmem:$0x160] =	vst v0;
	(pc) =	sbr.rel @p0 .LBB2_1-.Ltmp1, $4  }
0x62: {  	[tilespmem:s11], [sflag:$0x1] =	stream.indirect.gather [hbm4b:s2+s8], $0x80, s13, s8, $0xb8;
	[tilespmem:$0x4180] =	vst v63  }
0x63: {  	_ =	swait.ge [sflag:s12], $0x2000  }
0x64: {  	[sflag:s12] =	ssyncset.done $0x0  }
0x65: {  	[sflag:s12] =	ssyncadd.s32 $0xFFFFE000  }
.LBB2_2:
0x66: {  	[hbm4b:s15+s3] =	stream.linear.scatter [tilespmem:s9], [sflag:$0x2], $0x2000, $0x38;
	[tilespmem:$0x4180] =	vst v63  }
0x67: {  	_ =	swait.ge [sflag:s12], $0x2000  }
0x68: {  	[sflag:s12] =	ssyncset.done $0x0  }
0x69: {  	[sflag:s12] =	ssyncadd.s32 $0xFFFFE000  }
0x6a: {  	[hbm4b:s14+s3] =	stream.linear.scatter [tilespmem:s11], [sflag:$0x2], $0x2000, $0x38;
	[tilespmem:$0x4180] =	vst v63  }
0x6b: {  	_ =	swait.ge [sflag:s4], $0x2000  }
0x6c: {  	[sflag:s4] =	ssyncset.done $0x0  }
0x6d: {  	[sflag:s4] =	ssyncadd.s32 $0xFFFFE000  }
0x6e: {  	_ =	swait.ge [sflag:s4], $0x2000  }
0x6f: {  	[sflag:s4] =	ssyncset.done $0x0  }
0x70: {  	[sflag:s4] =	ssyncadd.s32 $0xFFFFE000  }
0x71: {  	_ =	sfence.sel $0x180000  }
0x72: {  	[bflag:$0x0] =	sbarrier.arrive $0xFFFF  }
0x73: {  	p0 =	sne.s32 s0, $0x0;
	_ =	strace $0x90000047  }
0x74: {  	s0 =	sadd.s32 @!p0 $0x100000, s1;
	[bflag:$0x2] =	sbarrier.arrive $0xFFFF  }
0x75: {  	[sflag:s0] =	ssyncadd.tile.s32 @!p0 $0x1;
	_ =	shalt  }
.Lfunc_end2:
_tile_overlayer_lowered:
.L_overlay_start_2:
0x76: {  	(tag) =	ssettag $0x2  }
0x77: {  	s0 =	rddreg [dreg:$0x0];
	s2 =	stileid.u32  }
0x78: {  	s1 =	rddreg [dreg:$0x1];
	p0 =	sne.s32 s2, $0x0  }
0x79: {  	s3 =	rddreg [dreg:$0x2];
	[bflag:$0x3] =	sbarrier.arrive $0xFFFF;
	s2 =	simm.s32 @!p0 $0x1C03  }
0x7a: {  	[timem:s3], [sflag:s2] =	dma.local @!p0 [hbm:s0], s1  }
0x7b: {  	s0 =	simm.s32 @!p0 $0x3  }
0x7c: {  	_ =	swait.ge @!p0 [sflag:s0], s1  }
0x7d: {  	s1 =	ssub.s32 @!p0 $0x0, s1;
	[sflag:s0] =	ssyncset.done @!p0 $0x0  }
0x7e: {  	[sflag:s0] =	ssyncadd.s32 @!p0 s1  }
0x7f: {  	[bflag:$0x3] =	sbarrier.arrive $0xFFFF  }
0x80: {  	_ =	shalt  }

</sc_bundles>
